<compile_context>
chip_gen: v7x
topology: tpu7x:2x2x1
jax: 0.10.2.dev20260603
libtpu: 0.0.44.dev20260713+nightly
codegen_flags: <defaults>
</compile_context>

<pallas_src>
import functools

import jax
import jax.numpy as jnp
from jax import lax
from jax.experimental import pallas as pl
from jax.experimental.pallas import tpu as pltpu
from jax.experimental.pallas import tpu_sc as plsc

_N_BINS = 10
_BB = 32
_NC = 2
_NS = 16
_NW = _NC * _NS
_L = 16


def _tc_bins_kernel(pred_ref, truth_ref, bins_ref):
    x = jnp.swapaxes(pred_ref[...], 1, 2)
    tv = truth_ref[...]
    t = tv[:, None, :]

    mask = x < t
    r = jnp.sum(mask.astype(jnp.float32), axis=1).astype(jnp.int32)
    a = jnp.max(jnp.where(mask, x, -jnp.inf), axis=1)
    b = jnp.min(jnp.where(mask, jnp.inf, x), axis=1)

    base = jnp.where(r >= 1, 1 + jnp.minimum((r - 1) // 10, 9), 0)
    base = base + jnp.where(r == 100, 1, 0)

    amb = (r % 10 == 0) & (r >= 10) & (r <= 90)
    kf = (r // 10).astype(jnp.float32)
    qv = kf * jnp.float32(0.1)
    idx = qv * jnp.float32(99.0)
    hw = idx - jnp.floor(idx)
    lw = jnp.float32(1.0) - hw
    interp = a * lw + b * hw
    m = base + jnp.where(amb & (interp < tv), 1, 0)

    bins_ref[...] = jnp.clip(m, 1, _N_BINS) - 1


def _tc_bins(prediction, truth):
    nb = prediction.shape[0]
    return pl.pallas_call(
        _tc_bins_kernel,
        grid=(nb // _BB,),
        in_specs=[
            pl.BlockSpec((_BB, 256, 100), lambda i: (i, 0, 0)),
            pl.BlockSpec((_BB, 256), lambda i: (i, 0)),
        ],
        out_specs=pl.BlockSpec((_BB, 256), lambda i: (i, 0)),
        out_shape=jax.ShapeDtypeStruct((nb, 256), jnp.int32),
    )(prediction, truth)


_sc_mesh = plsc.VectorSubcoreMesh(
    core_axis_name="c", subcore_axis_name="s", num_cores=_NC, num_subcores=_NS)


@functools.partial(
    pl.kernel,
    out_type=jax.ShapeDtypeStruct((_NW, _L), jnp.float32),
    mesh=_sc_mesh,
    scratch_types=[
        pltpu.VMEM((16, 256), jnp.int32),
        pltpu.VMEM((_L,), jnp.float32),
    ],
    compiler_params=pltpu.CompilerParams(needs_layout_passes=False),
)
def _sc_hist(bins_hbm, out_hbm, in_v, hist_v):
    wid = lax.axis_index("s") * _NC + lax.axis_index("c")
    pltpu.sync_copy(bins_hbm.at[pl.ds(wid * 16, 16)], in_v)

    hist_v[...] = jnp.zeros((_L,), jnp.float32)
    ones = jnp.ones((_L,), jnp.float32)

    def row_body(rr, carry):
        def col_body(cc, carry):
            v = in_v[rr, pl.ds(cc * _L, _L)]
            plsc.addupdate_scatter(hist_v, [v], ones)
            return carry
        return lax.fori_loop(0, 256 // _L, col_body, carry)

    lax.fori_loop(0, 16, row_body, 0)
    pltpu.sync_copy(hist_v, out_hbm.at[wid])


@jax.jit
def kernel(prediction, truth):
    bins = _tc_bins(prediction, truth)
    part = _sc_hist(bins)
    return jnp.sum(part, axis=0)[:_N_BINS]

# --- scband reference (transcript-rebuilt; emitter-appended) ---
"""Pipeline reference for scband-qice-24335284699361 (READ-ONLY COPY).

The authoritative reference and input builder live on the scoring server;
editing this copy changes nothing except your own understanding.
"""

import jax, jax.numpy as jnp
import numpy as np

N_BINS = 10


def setup_inputs(seed: int = 0) -> dict:
    key = jax.random.key(seed)
    k1, k2 = jax.random.split(key)
    prediction = jax.random.normal(k1, (512, 256, 100), dtype=jnp.float32)
    truth = jax.random.normal(k2, (512, 256), dtype=jnp.float32)
    return {"prediction": prediction, "truth": truth}


def reference(prediction, truth):
    n_bins = N_BINS
    quantile_list = jnp.linspace(0.0, 1.0, n_bins + 1)
    # torch.flatten(prediction, start_dim=1, end_dim=-2)
    pred = prediction.reshape(prediction.shape[0], -1, prediction.shape[-1])
    # torch.flatten(truth, start_dim=1).unsqueeze(0)
    tr = truth.reshape(truth.shape[0], -1)[None, :, :]
    # torch.quantile(prediction, quantile_list, dim=-1) -> (n_bins+1, batch, D)
    quantiles = jnp.quantile(pred, quantile_list, axis=-1)
    # (truth - quantiles > 0).sum(axis=0)
    quantile_membership = (tr - quantiles > 0).astype(jnp.int32).sum(axis=0)
    # histogram over membership values 0..n_bins+1
    counts = jnp.bincount(quantile_membership.reshape(-1), length=n_bins + 2)
    counts = counts.at[1].add(counts[0])
    counts = counts.at[-2].add(counts[-1])
    counts = counts[1:-1]
    return counts.astype(jnp.float32)

if __name__ == "__main__":
    import jax
    _d = setup_inputs()
    print(jax.jit(kernel)(*tuple(_d.values())))

</pallas_src>

<mosaic_0001>
#map = affine_map<(d0, d1) -> (0, 0)>
module attributes {stable_mosaic.version = 14 : i64} {
  func.func @_sc_hist(%arg0: i32, %arg1: i32, %arg2: memref<512x256xi32, #tpu.memory_space<hbm>>, %arg3: memref<32x16xf32, #tpu.memory_space<hbm>>, %arg4: memref<16x256xi32, #tpu.memory_space<vmem>>, %arg5: memref<16xf32, #tpu.memory_space<vmem>>) attributes {dimension_semantics = [#tpu.dimension_semantics<core_parallel>, #tpu.dimension_semantics<subcore_parallel>], iteration_bounds = array<i64: 2, 16>, scalar_prefetch = 0 : i64, scratch_operands = 2 : i64, tpu.core_type = #tpu.core_type<sc_vector_subcore>, window_params = [{transform_indices = #map}, {transform_indices = #map}]} {
    %mul3A = arith.constant 2 : i32
    %mul3A_0 = arith.muli %arg1, %mul3A : i32
    %add3A = arith.addi %mul3A_0, %arg0 : i32
    %mul3A_1 = arith.constant 16 : i32
    %mul3A_2 = arith.muli %add3A, %mul3A_1 : i32
    "tpu.region"() ({
      %run_scoped3A = tpu.sem_alloc : memref<!tpu.dma_semaphore, #tpu.memory_space<semaphore_mem>>
      %dma_start3A = arith.constant 0 : i32
      %dma_start3A_12 = tpu.memref_slice %arg2[%mul3A_2, %dma_start3A] : memref<512x256xi32, #tpu.memory_space<hbm>> -> memref<16x256xi32, #tpu.memory_space<hbm>>
      %dma_start3A_13 = arith.constant 0 : i32
      %dma_start3A_14 = tpu.memref_slice %arg2[%mul3A_2, %dma_start3A_13] : memref<512x256xi32, #tpu.memory_space<hbm>> -> memref<16x256xi32, #tpu.memory_space<hbm>>
      tpu.enqueue_dma source(%dma_start3A_14 : memref<16x256xi32, #tpu.memory_space<hbm>>) target(%arg4 : memref<16x256xi32, #tpu.memory_space<vmem>>) target_semaphore(%run_scoped3A : memref<!tpu.dma_semaphore, #tpu.memory_space<semaphore_mem>>)
      %dma_wait3A = arith.constant 0 : i32
      %dma_wait3A_15 = tpu.memref_slice %arg2[%mul3A_2, %dma_wait3A] : memref<512x256xi32, #tpu.memory_space<hbm>> -> memref<16x256xi32, #tpu.memory_space<hbm>>
      %dma_wait3A_16 = arith.constant 0 : i32
      %dma_wait3A_17 = tpu.memref_slice %arg2[%mul3A_2, %dma_wait3A_16] : memref<512x256xi32, #tpu.memory_space<hbm>> -> memref<16x256xi32, #tpu.memory_space<hbm>>
      tpu.wait_dma2 semaphore(%run_scoped3A : memref<!tpu.dma_semaphore, #tpu.memory_space<semaphore_mem>>) src(%dma_wait3A_17 : memref<16x256xi32, #tpu.memory_space<hbm>>) dst(%arg4 : memref<16x256xi32, #tpu.memory_space<vmem>>)
      tpu.yield
    }) : () -> ()
    %broadcast_in_dim3A = arith.constant 0.000000e+00 : f32
    %broadcast_in_dim3A_3 = vector.broadcast %broadcast_in_dim3A : f32 to vector<16xf32>
    %swap3A = arith.constant 0 : index
    %swap3A_4 = tpu.vector_load %arg5[%swap3A] {strides = array<i32>} : memref<16xf32, #tpu.memory_space<vmem>>, vector<16xf32>,
    tpu.vector_store %arg5[%swap3A], %broadcast_in_dim3A_3 {strides = array<i32>} : memref<16xf32, #tpu.memory_space<vmem>>, vector<16xf32>,
    %broadcast_in_dim3A_5 = arith.constant 1.000000e+00 : f32
    %broadcast_in_dim3A_6 = vector.broadcast %broadcast_in_dim3A_5 : f32 to vector<16xf32>
    %scan3A = arith.constant 0 : i32
    %scan3A_7 = arith.constant 0 : i32
    %scan3A_8 = arith.constant 16 : i32
    %scan3A_9 = arith.addi %scan3A_7, %scan3A_8 : i32
    %scan3A_10 = arith.constant 1 : i32
    scf.for %scan3A_12 = %scan3A_7 to %scan3A_9 step %scan3A_10  : i32 {
      %scan3A_13 = arith.constant 0 : i32
      %scan3A_14 = arith.constant 16 : i32
      %scan3A_15 = arith.addi %scan3A_13, %scan3A_14 : i32
      %scan3A_16 = arith.constant 1 : i32
      scf.for %scan3A_18 = %scan3A_13 to %scan3A_15 step %scan3A_16  : i32 {
        %mul3A_19 = arith.constant 16 : i32
        %mul3A_20 = arith.muli %scan3A_18, %mul3A_19 : i32
        %get3A = arith.index_cast %scan3A_12 : i32 to index
        %get3A_21 = arith.index_cast %mul3A_20 : i32 to index
        %get3A_22 = tpu.vector_load %arg4[%get3A, %get3A_21] {strides = array<i32>} : memref<16x256xi32, #tpu.memory_space<vmem>>, vector<16xi32>,
        tpu.vector_store_idx %arg5[%get3A_22], %broadcast_in_dim3A_6 {add = true} : memref<16xf32, #tpu.memory_space<vmem>>[vector<16xi32>], vector<16xf32>,
      }
      %scan3A_17 = arith.constant 16 : i32
    }
    %scan3A_11 = arith.constant 16 : i32
    "tpu.region"() ({
      %run_scoped3A = tpu.sem_alloc : memref<!tpu.dma_semaphore, #tpu.memory_space<semaphore_mem>>
      %dma_start3A = arith.constant 0 : i32
      %dma_start3A_12 = tpu.memref_slice %arg3[%add3A, %dma_start3A] : memref<32x16xf32, #tpu.memory_space<hbm>> -> memref<1x16xf32, #tpu.memory_space<hbm>>
      %dma_start3A_13 = tpu.memref_squeeze %dma_start3A_12 : memref<1x16xf32, #tpu.memory_space<hbm>> -> memref<16xf32, #tpu.memory_space<hbm>>
      %dma_start3A_14 = arith.constant 0 : i32
      %dma_start3A_15 = tpu.memref_slice %arg3[%add3A, %dma_start3A_14] : memref<32x16xf32, #tpu.memory_space<hbm>> -> memref<1x16xf32, #tpu.memory_space<hbm>>
      %dma_start3A_16 = tpu.memref_squeeze %dma_start3A_15 : memref<1x16xf32, #tpu.memory_space<hbm>> -> memref<16xf32, #tpu.memory_space<hbm>>
      tpu.enqueue_dma source(%arg5 : memref<16xf32, #tpu.memory_space<vmem>>) target(%dma_start3A_16 : memref<16xf32, #tpu.memory_space<hbm>>) target_semaphore(%run_scoped3A : memref<!tpu.dma_semaphore, #tpu.memory_space<semaphore_mem>>)
      %dma_wait3A = arith.constant 0 : i32
      %dma_wait3A_17 = tpu.memref_slice %arg3[%add3A, %dma_wait3A] : memref<32x16xf32, #tpu.memory_space<hbm>> -> memref<1x16xf32, #tpu.memory_space<hbm>>
      %dma_wait3A_18 = tpu.memref_squeeze %dma_wait3A_17 : memref<1x16xf32, #tpu.memory_space<hbm>> -> memref<16xf32, #tpu.memory_space<hbm>>
      %dma_wait3A_19 = arith.constant 0 : i32
      %dma_wait3A_20 = tpu.memref_slice %arg3[%add3A, %dma_wait3A_19] : memref<32x16xf32, #tpu.memory_space<hbm>> -> memref<1x16xf32, #tpu.memory_space<hbm>>
      %dma_wait3A_21 = tpu.memref_squeeze %dma_wait3A_20 : memref<1x16xf32, #tpu.memory_space<hbm>> -> memref<16xf32, #tpu.memory_space<hbm>>
      tpu.wait_dma2 semaphore(%run_scoped3A : memref<!tpu.dma_semaphore, #tpu.memory_space<semaphore_mem>>) src(%arg5 : memref<16xf32, #tpu.memory_space<vmem>>) dst(%dma_wait3A_21 : memref<16xf32, #tpu.memory_space<hbm>>)
      tpu.yield
    }) : () -> ()
    return
  }
}

module attributes {stable_mosaic.version = 14 : i64} {
  func.func @_tc_bins_kernel(%arg0: i32, %arg1: memref<32x256x100xf32, #tpu.memory_space<vmem>>, %arg2: memref<32x256xf32, #tpu.memory_space<vmem>>, %arg3: memref<32x256xi32, #tpu.memory_space<vmem>>) attributes {dimension_semantics = [#tpu.dimension_semantics<arbitrary>], iteration_bounds = array<i64: 16>, scalar_prefetch = 0 : i64, scratch_operands = 0 : i64, tpu.core_type = #tpu.core_type<tc>, window_params = [{transform_indices = @transform_0, window_bounds = array<i64: 32, 256, 100>}, {transform_indices = @transform_1, window_bounds = array<i64: 32, 256>}, {transform_indices = @transform_2, window_bounds = array<i64: 32, 256>}]} {
    %get3A = arith.constant 0 : index
    %get3A_0 = arith.constant 0 : index
    %get3A_1 = arith.constant 0 : index
    %get3A_2 = vector.load %arg1[%get3A, %get3A_0, %get3A_1] : memref<32x256x100xf32, #tpu.memory_space<vmem>>, vector<32x256x100xf32>
    %transpose3A = tpu.transpose %get3A_2, [0, 2, 1] : vector<32x256x100xf32> -> vector<32x100x256xf32>
    %get3A_3 = arith.constant 0 : index
    %get3A_4 = arith.constant 0 : index
    %get3A_5 = vector.load %arg2[%get3A_3, %get3A_4] : memref<32x256xf32, #tpu.memory_space<vmem>>, vector<32x256xf32>
    %broadcast_in_dim3A = vector.shape_cast %get3A_5 : vector<32x256xf32> to vector<32x1x256xf32>
    %lt3A = vector.broadcast %broadcast_in_dim3A : vector<32x1x256xf32> to vector<32x100x256xf32>
    %lt3A_6 = arith.cmpf olt, %transpose3A, %lt3A : vector<32x100x256xf32>
    %convert_element_type3A = arith.extui %lt3A_6 : vector<32x100x256xi1> to vector<32x100x256xi32>
    %convert_element_type3A_7 = arith.sitofp %convert_element_type3A : vector<32x100x256xi32> to vector<32x100x256xf32>
    %reduce_sum3A = arith.constant dense<0.000000e+00> : vector<32x256xf32>
    %reduce_sum3A_8 = vector.multi_reduction <add>, %convert_element_type3A_7, %reduce_sum3A [1] : vector<32x100x256xf32> to vector<32x256xf32>
    %convert_element_type3A_9 = arith.fptosi %reduce_sum3A_8 : vector<32x256xf32> to vector<32x256xi32>
    %jit3A = arith.constant 0xFF800000 : f32
    %broadcast_in_dim3A_10 = vector.broadcast %jit3A : f32 to vector<32x100x256xf32>
    %select_n3A = arith.select %lt3A_6, %transpose3A, %broadcast_in_dim3A_10 : vector<32x100x256xi1>, vector<32x100x256xf32>
    %reduce_max3A = arith.constant dense<0xFF800000> : vector<32x256xf32>
    %reduce_max3A_11 = vector.multi_reduction <maximumf>, %select_n3A, %reduce_max3A [1] : vector<32x100x256xf32> to vector<32x256xf32>
    %jit3A_12 = arith.constant 0x7F800000 : f32
    %broadcast_in_dim3A_13 = vector.broadcast %jit3A_12 : f32 to vector<32x100x256xf32>
    %select_n3A_14 = arith.select %lt3A_6, %broadcast_in_dim3A_13, %transpose3A : vector<32x100x256xi1>, vector<32x100x256xf32>
    %reduce_min3A = arith.constant dense<0x7F800000> : vector<32x256xf32>
    %reduce_min3A_15 = vector.multi_reduction <minimumf>, %select_n3A_14, %reduce_min3A [1] : vector<32x100x256xf32> to vector<32x256xf32>
    %ge3A = arith.constant 1 : i32
    %ge3A_16 = vector.broadcast %ge3A : i32 to vector<32x256xi32>
    %ge3A_17 = arith.cmpi sge, %convert_element_type3A_9, %ge3A_16 : vector<32x256xi32>
    %sub3A = arith.constant 1 : i32
    %sub3A_18 = vector.broadcast %sub3A : i32 to vector<32x256xi32>
    %sub3A_19 = arith.subi %convert_element_type3A_9, %sub3A_18 : vector<32x256xi32>
    %jit3A_20 = arith.constant 10 : i32
    %div3A = vector.broadcast %jit3A_20 : i32 to vector<32x256xi32>
    %div3A_21 = arith.divsi %sub3A_19, %div3A : vector<32x256xi32>
    %sign3A = arith.constant 0 : i32
    %sign3A_22 = vector.broadcast %sign3A : i32 to vector<32x256xi32>
    %sign3A_23 = arith.cmpi sgt, %sub3A_19, %sign3A_22 : vector<32x256xi32>
    %sign3A_24 = arith.extui %sign3A_23 : vector<32x256xi1> to vector<32x256xi32>
    %sign3A_25 = arith.constant 0 : i32
    %sign3A_26 = vector.broadcast %sign3A_25 : i32 to vector<32x256xi32>
    %sign3A_27 = arith.cmpi slt, %sub3A_19, %sign3A_26 : vector<32x256xi32>
    %sign3A_28 = arith.extui %sign3A_27 : vector<32x256xi1> to vector<32x256xi32>
    %sign3A_29 = arith.subi %sign3A_24, %sign3A_28 : vector<32x256xi32>
    %sign3A_30 = arith.constant 0 : i32
    %sign3A_31 = arith.cmpi sgt, %jit3A_20, %sign3A_30 : i32
    %sign3A_32 = arith.extui %sign3A_31 : i1 to i32
    %sign3A_33 = arith.constant 0 : i32
    %sign3A_34 = arith.cmpi slt, %jit3A_20, %sign3A_33 : i32
    %sign3A_35 = arith.extui %sign3A_34 : i1 to i32
    %sign3A_36 = arith.subi %sign3A_32, %sign3A_35 : i32
    %ne3A = vector.broadcast %sign3A_36 : i32 to vector<32x256xi32>
    %ne3A_37 = arith.cmpi ne, %sign3A_29, %ne3A : vector<32x256xi32>
    %rem3A = vector.broadcast %jit3A_20 : i32 to vector<32x256xi32>
    %rem3A_38 = arith.remsi %sub3A_19, %rem3A : vector<32x256xi32>
    %ne3A_39 = arith.constant 0 : i32
    %ne3A_40 = vector.broadcast %ne3A_39 : i32 to vector<32x256xi32>
    %ne3A_41 = arith.cmpi ne, %rem3A_38, %ne3A_40 : vector<32x256xi32>
    %and3A = arith.andi %ne3A_37, %ne3A_41 : vector<32x256xi1>
    %sub3A_42 = arith.constant 1 : i32
    %sub3A_43 = vector.broadcast %sub3A_42 : i32 to vector<32x256xi32>
    %sub3A_44 = arith.subi %div3A_21, %sub3A_43 : vector<32x256xi32>
    %select_n3A_45 = arith.select %and3A, %sub3A_44, %div3A_21 : vector<32x256xi1>, vector<32x256xi32>
    %min3A = arith.constant 9 : i32
    %min3A_46 = vector.broadcast %min3A : i32 to vector<32x256xi32>
    %min3A_47 = arith.minsi %select_n3A_45, %min3A_46 : vector<32x256xi32>
    %add3A = arith.constant 1 : i32
    %add3A_48 = vector.broadcast %add3A : i32 to vector<32x256xi32>
    %add3A_49 = arith.addi %add3A_48, %min3A_47 : vector<32x256xi32>
    %jit3A_50 = arith.constant 0 : i32
    %broadcast_in_dim3A_51 = vector.broadcast %jit3A_50 : i32 to vector<32x256xi32>
    %select_n3A_52 = arith.select %ge3A_17, %add3A_49, %broadcast_in_dim3A_51 : vector<32x256xi1>, vector<32x256xi32>
    %eq3A = arith.constant 100 : i32
    %eq3A_53 = vector.broadcast %eq3A : i32 to vector<32x256xi32>
    %eq3A_54 = arith.cmpi eq, %convert_element_type3A_9, %eq3A_53 : vector<32x256xi32>
    %jit3A_55 = arith.constant 1 : i32
    %jit3A_56 = arith.constant 0 : i32
    %broadcast_in_dim3A_57 = vector.broadcast %jit3A_55 : i32 to vector<32x256xi32>
    %broadcast_in_dim3A_58 = vector.broadcast %jit3A_56 : i32 to vector<32x256xi32>
    %select_n3A_59 = arith.select %eq3A_54, %broadcast_in_dim3A_57, %broadcast_in_dim3A_58 : vector<32x256xi1>, vector<32x256xi32>
    %add3A_60 = arith.addi %select_n3A_52, %select_n3A_59 : vector<32x256xi32>
    %jit3A_61 = arith.constant 10 : i32
    %eq3A_62 = arith.constant 0 : i32
    %eq3A_63 = arith.cmpi eq, %jit3A_61, %eq3A_62 : i32
    %jit3A_64 = arith.constant 1 : i32
    %select_n3A_65 = arith.select %eq3A_63, %jit3A_64, %jit3A_61 : i32
    %rem3A_66 = vector.broadcast %select_n3A_65 : i32 to vector<32x256xi32>
    %rem3A_67 = arith.remsi %convert_element_type3A_9, %rem3A_66 : vector<32x256xi32>
    %ne3A_68 = arith.constant 0 : i32
    %ne3A_69 = vector.broadcast %ne3A_68 : i32 to vector<32x256xi32>
    %ne3A_70 = arith.cmpi ne, %rem3A_67, %ne3A_69 : vector<32x256xi32>
    %lt3A_71 = arith.constant 0 : i32
    %lt3A_72 = vector.broadcast %lt3A_71 : i32 to vector<32x256xi32>
    %lt3A_73 = arith.cmpi slt, %rem3A_67, %lt3A_72 : vector<32x256xi32>
    %lt3A_74 = arith.constant 0 : i32
    %lt3A_75 = arith.cmpi slt, %select_n3A_65, %lt3A_74 : i32
    %ne3A_76 = vector.broadcast %lt3A_75 : i1 to vector<32x256xi1>
    %ne3A_77 = vector.broadcast %ne3A_76 : vector<32x256xi1> to vector<32x256xi1>
    %ne3A_78 = arith.xori %lt3A_73, %ne3A_77 : vector<32x256xi1>
    %and3A_79 = arith.andi %ne3A_78, %ne3A_70 : vector<32x256xi1>
    %add3A_80 = vector.broadcast %select_n3A_65 : i32 to vector<32x256xi32>
    %add3A_81 = arith.addi %rem3A_67, %add3A_80 : vector<32x256xi32>
    %select_n3A_82 = arith.select %and3A_79, %add3A_81, %rem3A_67 : vector<32x256xi1>, vector<32x256xi32>
    %eq3A_83 = arith.constant 0 : i32
    %eq3A_84 = vector.broadcast %eq3A_83 : i32 to vector<32x256xi32>
    %eq3A_85 = arith.cmpi eq, %select_n3A_82, %eq3A_84 : vector<32x256xi32>
    %ge3A_86 = arith.constant 10 : i32
    %ge3A_87 = vector.broadcast %ge3A_86 : i32 to vector<32x256xi32>
    %ge3A_88 = arith.cmpi sge, %convert_element_type3A_9, %ge3A_87 : vector<32x256xi32>
    %and3A_89 = arith.andi %eq3A_85, %ge3A_88 : vector<32x256xi1>
    %le3A = arith.constant 90 : i32
    %le3A_90 = vector.broadcast %le3A : i32 to vector<32x256xi32>
    %le3A_91 = arith.cmpi sle, %convert_element_type3A_9, %le3A_90 : vector<32x256xi32>
    %and3A_92 = arith.andi %and3A_89, %le3A_91 : vector<32x256xi1>
    %jit3A_93 = arith.constant 10 : i32
    %div3A_94 = vector.broadcast %jit3A_93 : i32 to vector<32x256xi32>
    %div3A_95 = arith.divsi %convert_element_type3A_9, %div3A_94 : vector<32x256xi32>
    %sign3A_96 = arith.constant 0 : i32
    %sign3A_97 = vector.broadcast %sign3A_96 : i32 to vector<32x256xi32>
    %sign3A_98 = arith.cmpi sgt, %convert_element_type3A_9, %sign3A_97 : vector<32x256xi32>
    %sign3A_99 = arith.extui %sign3A_98 : vector<32x256xi1> to vector<32x256xi32>
    %sign3A_100 = arith.constant 0 : i32
    %sign3A_101 = vector.broadcast %sign3A_100 : i32 to vector<32x256xi32>
    %sign3A_102 = arith.cmpi slt, %convert_element_type3A_9, %sign3A_101 : vector<32x256xi32>
    %sign3A_103 = arith.extui %sign3A_102 : vector<32x256xi1> to vector<32x256xi32>
    %sign3A_104 = arith.subi %sign3A_99, %sign3A_103 : vector<32x256xi32>
    %sign3A_105 = arith.constant 0 : i32
    %sign3A_106 = arith.cmpi sgt, %jit3A_93, %sign3A_105 : i32
    %sign3A_107 = arith.extui %sign3A_106 : i1 to i32
    %sign3A_108 = arith.constant 0 : i32
    %sign3A_109 = arith.cmpi slt, %jit3A_93, %sign3A_108 : i32
    %sign3A_110 = arith.extui %sign3A_109 : i1 to i32
    %sign3A_111 = arith.subi %sign3A_107, %sign3A_110 : i32
    %ne3A_112 = vector.broadcast %sign3A_111 : i32 to vector<32x256xi32>
    %ne3A_113 = arith.cmpi ne, %sign3A_104, %ne3A_112 : vector<32x256xi32>
    %rem3A_114 = vector.broadcast %jit3A_93 : i32 to vector<32x256xi32>
    %rem3A_115 = arith.remsi %convert_element_type3A_9, %rem3A_114 : vector<32x256xi32>
    %ne3A_116 = arith.constant 0 : i32
    %ne3A_117 = vector.broadcast %ne3A_116 : i32 to vector<32x256xi32>
    %ne3A_118 = arith.cmpi ne, %rem3A_115, %ne3A_117 : vector<32x256xi32>
    %and3A_119 = arith.andi %ne3A_113, %ne3A_118 : vector<32x256xi1>
    %sub3A_120 = arith.constant 1 : i32
    %sub3A_121 = vector.broadcast %sub3A_120 : i32 to vector<32x256xi32>
    %sub3A_122 = arith.subi %div3A_95, %sub3A_121 : vector<32x256xi32>
    %select_n3A_123 = arith.select %and3A_119, %sub3A_122, %div3A_95 : vector<32x256xi1>, vector<32x256xi32>
    %convert_element_type3A_124 = arith.sitofp %select_n3A_123 : vector<32x256xi32> to vector<32x256xf32>
    %mul3A = arith.constant 1.000000e-01 : f32
    %mul3A_125 = vector.broadcast %mul3A : f32 to vector<32x256xf32>
    %mul3A_126 = arith.mulf %convert_element_type3A_124, %mul3A_125 : vector<32x256xf32>
    %mul3A_127 = arith.constant 9.900000e+01 : f32
    %mul3A_128 = vector.broadcast %mul3A_127 : f32 to vector<32x256xf32>
    %mul3A_129 = arith.mulf %mul3A_126, %mul3A_128 : vector<32x256xf32>
    %floor3A = math.floor %mul3A_129 : vector<32x256xf32>
    %sub3A_130 = arith.subf %mul3A_129, %floor3A : vector<32x256xf32>
    %sub3A_131 = arith.constant 1.000000e+00 : f32
    %sub3A_132 = vector.broadcast %sub3A_131 : f32 to vector<32x256xf32>
    %sub3A_133 = arith.subf %sub3A_132, %sub3A_130 : vector<32x256xf32>
    %mul3A_134 = arith.mulf %reduce_max3A_11, %sub3A_133 : vector<32x256xf32>
    %mul3A_135 = arith.mulf %reduce_min3A_15, %sub3A_130 : vector<32x256xf32>
    %add3A_136 = arith.addf %mul3A_134, %mul3A_135 : vector<32x256xf32>
    %lt3A_137 = arith.cmpf olt, %add3A_136, %get3A_5 : vector<32x256xf32>
    %and3A_138 = arith.andi %and3A_92, %lt3A_137 : vector<32x256xi1>
    %jit3A_139 = arith.constant 1 : i32
    %jit3A_140 = arith.constant 0 : i32
    %broadcast_in_dim3A_141 = vector.broadcast %jit3A_139 : i32 to vector<32x256xi32>
    %broadcast_in_dim3A_142 = vector.broadcast %jit3A_140 : i32 to vector<32x256xi32>
    %select_n3A_143 = arith.select %and3A_138, %broadcast_in_dim3A_141, %broadcast_in_dim3A_142 : vector<32x256xi1>, vector<32x256xi32>
    %add3A_144 = arith.addi %add3A_60, %select_n3A_143 : vector<32x256xi32>
    %jit3A_145 = arith.constant 1 : i32
    %jit3A_146 = arith.constant 10 : i32
    %max3A = vector.broadcast %jit3A_145 : i32 to vector<32x256xi32>
    %max3A_147 = arith.maxsi %max3A, %add3A_144 : vector<32x256xi32>
    %min3A_148 = vector.broadcast %jit3A_146 : i32 to vector<32x256xi32>
    %min3A_149 = arith.minsi %min3A_148, %max3A_147 : vector<32x256xi32>
    %sub3A_150 = arith.constant 1 : i32
    %sub3A_151 = vector.broadcast %sub3A_150 : i32 to vector<32x256xi32>
    %sub3A_152 = arith.subi %min3A_149, %sub3A_151 : vector<32x256xi32>
    %swap3A = arith.constant 0 : index
    %swap3A_153 = arith.constant 0 : index
    %swap3A_154 = vector.load %arg3[%swap3A, %swap3A_153] : memref<32x256xi32, #tpu.memory_space<vmem>>, vector<32x256xi32>
    tpu.vector_store %arg3[%swap3A, %swap3A_153], %sub3A_152 {strides = array<i32>} : memref<32x256xi32, #tpu.memory_space<vmem>>, vector<32x256xi32>,
    return
  }
  func.func @transform_0(%arg0: i32) -> (i32, i32, i32) {
    %c0_i32 = arith.constant 0 : i32
    %c0_i32_0 = arith.constant 0 : i32
    %c0_i32_1 = arith.constant 0 : i32
    return %arg0, %c0_i32, %c0_i32_0 : i32, i32, i32
  }
  func.func @transform_1(%arg0: i32) -> (i32, i32) {
    %c0_i32 = arith.constant 0 : i32
    %c0_i32_0 = arith.constant 0 : i32
    return %arg0, %c0_i32 : i32, i32
  }
  func.func @transform_2(%arg0: i32) -> (i32, i32) {
    %c0_i32 = arith.constant 0 : i32
    %c0_i32_0 = arith.constant 0 : i32
    return %arg0, %c0_i32 : i32, i32
  }
}

</mosaic_0001>

<sc_bundles>
// kernel: kernel.4.cloned.1.call-start
scs
__scs_entry_jumppad:
0x0: {  	(pc) =	sbr.rel $0x88, $3  }
0x1: {  	(tag) =	ssettag $0x0;
	lr =	simm.s32 $0x1  }
0x2: {  	[smem:$0x3F9F] =	sst lr;
	_ =	strace $0xD0000000  }
0x3: {  	_ = 	snop  }
0x4: {  	_ = 	snop  }
0x5: {  	_ = 	snop  }
0x6: {  	_ = 	snop  }
0x7: {  	_ = 	snop  }
__scs_overlays_trampoline_lowered:
0x8: {  	[smem:$0x3FAE] =	sst s0  }
0x9: {  	[smem:$0x3FAF] =	sst s1  }
0xa: {  	[smem:$0x3FB0] =	sst s2  }
0xb: {  	[smem:$0x3FB1] =	sst s3  }
0xc: {  	[smem:$0x3FB2] =	sst s4  }
0xd: {  	[smem:$0x3FB3] =	sst s5  }
0xe: {  	[smem:$0x3FB4] =	sst s6  }
0xf: {  	[smem:$0x3FB5] =	sst s7  }
0x10: {  	[smem:$0x3FB6] =	sst s8  }
0x11: {  	[smem:$0x3FB7] =	sst s9;
	s0 =	simm.s32 @!p0 $0x0  }
0x12: {  	s1 =	sld [smem:$0x3F9D];
	s0 =	simm.s32 @p0 $0x1  }
0x13: {  	[smem:$0x3FB8] =	sst s0;
	s0 =	simm.s32 @!p1 $0x0  }
0x14: {  	s2 =	sld [smem:$0x3F9C];
	s0 =	simm.s32 @p1 $0x1  }
0x15: {  	[smem:$0x3FB9] =	sst s0;
	s0 =	simm.s32 @!p2 $0x0  }
0x16: {  	s3 =	sld [smem:$0x3FDB];
	s0 =	simm.s32 @p2 $0x1  }
0x17: {  	s4 =	simm.s32 $0x1BF5;
	[smem:$0x3FBB] =	sst s0  }
0x18: {  	s0 =	sld [smem:$0x3F9E];
	_ =	swait.ge [sflag:s4], $0x0  }
0x19: {  	s7 =	sld [smem:$0x3F9F]  }
0x1a: {  	s8 =	sadd.s32 $0xFFFFE003, lr  }
0x1b: {  	s9 =	sadd.s32 $0xFFFFFEF7, lr;
	s5 =	simm.s32 $0xFFFFFFFF;
	p2 =	slt.u32 s8, $0xFFFFF086  }
0x1c: {  	p1 =	slt.u32 s9, $0xF7A;
	s5 =	simm.s32 @!p2 $0x0  }
0x1d: {  	s5 =	simm.s32 @p1 $0x1;
	p0 =	seq.s32 s7, s2  }
0x1e: {  	s7 =	smul.u32 @!p0 $0xF7A, s2;
	p2 =	seq.s32 @!p0 s5, $0x0  }
0x1f: {  	s9 =	smul.u32 $0xF7A, s1;
	s8 =	simm.s32 @!p0 $0x1BF5;
	p2 =	por !p2, p0  }
0x20: {  	[sflag:s8] =	ssyncset.s32 @!p0 $0xFFFFF086;
	s6 =	sadd.s32 @!p0 s3, s7;
	s7 =	simm.s32 @!p0 $0x108  }
0x21: {  	s3 =	sadd.s32 s3, s9;
	s6 =	sadd.s32 @!p0 $0x88, s6;
	s7 =	simm.s32 @p2 $0x1082  }
0x22: {  	[simem:s7], [sflag:s8] =	dma.local @!p0 [hbm:s6], $0xF7A  }
0x23: {  	s9 =	sor.u32 $0xD0000000, s2;
	s6 =	simm.s32 $0x108;
	_ =	swait.ge @!p0 [sflag:s8], $0x0  }
0x24: {  	s3 =	sadd.s32 $0x88, s3;
	s6 =	simm.s32 @!p1 $0x1082;
	[sflag:s4] =	ssyncset.s32 $0xFFFFF086  }
0x25: {  	[simem:s6], [sflag:s4] =	dma.local [hbm:s3], $0xF7A  }
0x26: {  	[smem:$0x3F9F] =	sst s1;
	(tag) =	ssettag s2;
	_ =	strace s9  }
0x27: {  	s1 =	sld [smem:$0x3FAF]  }
0x28: {  	s2 =	sld [smem:$0x3FB0]  }
0x29: {  	s4 =	sld [smem:$0x3FB2]  }
0x2a: {  	p0 =	seq.s32 s5, $0x0;
	s5 =	sld [smem:$0x3FB3]  }
0x2b: {  	s6 =	sld [smem:$0x3FB4]  }
0x2c: {  	s7 =	sld [smem:$0x3FB5]  }
0x2d: {  	s3 =	simm.s32 $0x108;
	s8 =	sld [smem:$0x3FB6]  }
0x2e: {  	s3 =	simm.s32 @!p0 $0x1082;
	s9 =	sld [smem:$0x3FB7]  }
0x2f: {  	lr =	sadd.s32 s0, s3;
	s0 =	sld [smem:$0x3FAE]  }
0x30: {  	s3 =	sld [smem:$0x3FB1]  }
0x31: {  	[smem:$0x3FBA] =	sst s10  }
0x32: {  	s10 =	sld [smem:$0x3FB8];
	_ =	sdelay $0x3  }
0x33: {  	p0 =	seq.s32 s10, $0x1;
	s10 =	sld [smem:$0x3FBA];
	_ =	sdelay $0x3  }
0x34: {  	[smem:$0x3FBA] =	sst s10  }
0x35: {  	s10 =	sld [smem:$0x3FB9];
	_ =	sdelay $0x3  }
0x36: {  	p1 =	seq.s32 s10, $0x1;
	s10 =	sld [smem:$0x3FBA];
	_ =	sdelay $0x3  }
0x37: {  	[smem:$0x3FBA] =	sst s10  }
0x38: {  	s10 =	sld [smem:$0x3FBB]  }
0x39: {  	_ = 	snop;
	(pc) =	sbr.ind lr, $3  }
0x3a: {  	_ = 	snop  }
0x3b: {  	_ = 	snop  }
0x3c: {  	p2 =	seq.s32 s10, $0x1;
	s10 =	sld [smem:$0x3FBA]  }
0x3d: {  	_ =	shalt  }
0x3e: {  	_ =	shalt  }
0x3f: {  	_ =	shalt  }
0x40: {  	_ =	shalt  }
0x41: {  	_ =	shalt  }
0x42: {  	_ =	shalt  }
0x43: {  	_ =	shalt  }
0x44: {  	_ =	shalt  }
0x45: {  	_ =	shalt  }
0x46: {  	_ =	shalt  }
0x47: {  	_ =	shalt  }
0x48: {  	_ =	shalt  }
0x49: {  	_ =	shalt  }
0x4a: {  	_ =	shalt  }
0x4b: {  	_ =	shalt  }
0x4c: {  	_ =	shalt  }
0x4d: {  	_ =	shalt  }
0x4e: {  	_ =	shalt  }
0x4f: {  	_ =	shalt  }
0x50: {  	_ =	shalt  }
0x51: {  	_ =	shalt  }
0x52: {  	_ =	shalt  }
0x53: {  	_ =	shalt  }
0x54: {  	_ =	shalt  }
0x55: {  	_ =	shalt  }
0x56: {  	_ =	shalt  }
0x57: {  	_ =	shalt  }
0x58: {  	_ =	shalt  }
0x59: {  	_ =	shalt  }
0x5a: {  	_ =	shalt  }
0x5b: {  	_ =	shalt  }
0x5c: {  	_ =	shalt  }
0x5d: {  	_ =	shalt  }
0x5e: {  	_ =	shalt  }
0x5f: {  	_ =	shalt  }
0x60: {  	_ =	shalt  }
0x61: {  	_ =	shalt  }
0x62: {  	_ =	shalt  }
0x63: {  	_ =	shalt  }
0x64: {  	_ =	shalt  }
0x65: {  	_ =	shalt  }
0x66: {  	_ =	shalt  }
0x67: {  	_ =	shalt  }
0x68: {  	_ =	shalt  }
0x69: {  	_ =	shalt  }
0x6a: {  	_ =	shalt  }
0x6b: {  	_ =	shalt  }
0x6c: {  	_ =	shalt  }
0x6d: {  	_ =	shalt  }
0x6e: {  	_ =	shalt  }
0x6f: {  	_ =	shalt  }
0x70: {  	_ =	shalt  }
0x71: {  	_ =	shalt  }
0x72: {  	_ =	shalt  }
0x73: {  	_ =	shalt  }
0x74: {  	_ =	shalt  }
0x75: {  	_ =	shalt  }
0x76: {  	_ =	shalt  }
0x77: {  	_ =	shalt  }
0x78: {  	_ =	shalt  }
0x79: {  	_ =	shalt  }
0x7a: {  	_ =	shalt  }
0x7b: {  	_ =	shalt  }
0x7c: {  	_ =	shalt  }
0x7d: {  	_ =	shalt  }
0x7e: {  	_ =	shalt  }
0x7f: {  	_ =	shalt  }
0x80: {  	_ =	shalt  }
0x81: {  	_ =	shalt  }
0x82: {  	_ =	shalt  }
0x83: {  	_ =	shalt  }
0x84: {  	_ =	shalt  }
0x85: {  	_ =	shalt  }
0x86: {  	_ =	shalt  }
0x87: {  	_ =	shalt  }
.Lfunc_end0:
.L_simem_size_0:
called_computation_lowered:
.L_overlay_start_0:
0x88: {  	s2 =	sld [smem:$0x3FD9]  }
0x89: {  	s3 =	sld [smem:$0x3FFE];
	_ =	sdelay $0x1  }
0x8a: {  	s1 =	srdreg.scid  }
0x8b: {  	s0 =	sand.u32 $0x1, s1  }
0x8c: {  	s16 =	sshll.u32 s0, $0xA;
	s2 =	sadd.s32 s3, s2  }
0x8d: {  	s2 =	sadd.s32 s2, s16  }
0x8e: {  	[smem:$0x3FC6] =	sst s2  }
0x8f: {  	_ = 	snop  }
0x90: {  	(tm) =	ssettm $0x1  }
0x91: {  	s17 =	sld [smem:$0x3FFB];
	_ =	sdelay $0x3  }
0x92: {  	_ =	strace s17  }
0x93: {  	s2 =	sld [smem:$0x3FFC];
	_ =	sdelay $0x3  }
0x94: {  	_ =	strace s2  }
0x95: {  	s2 =	sld [smem:$0x3FFD];
	_ =	sdelay $0x3  }
0x96: {  	_ =	strace s2  }
0x97: {  	_ =	strace $0x8FFFFFFF  }
0x98: {  	s18 =	sld [smem:$0x3FDB];
	_ =	sdelay $0x1  }
0x99: {  	s19 =	simm.s32 $_scs_section_size  }
0x9a: {  	s4 =	simm.s32 $_size__tile_overlayer_lowered;
	s5 =	simm.s32 $_tile_overlayer_lowered  }
0x9b: {  	s22 =	simm.s32 $0x1BFF;
	s21 =	sshll.u32 s5, $0x1;
	s2 =	sadd.s32 s19, s18  }
0x9c: {  	s6 =	simm.s32 $0x0;
	s20 =	sshll.u32 s4, $0x1;
	s4 =	sadd.s32 s21, s2  }
0x9d: {  	[timem:s6], [sflag:s22] =	dma.local [hbm:s4], s20  }
0x9e: {  	_ =	swait.ge [sflag:s22], s20  }
0x9f: {  	s3 =	ssub.s32 $0x0, s20;
	[sflag:s22] =	ssyncset.done $0x0  }
0xa0: {  	[sflag:s22] =	ssyncadd.s32 s3;
	_ =	sdelay $0x1  }
0xa1: {  	s23 =	simm.s32 $0x1B8B  }
0xa2: {  	_ =	swait.ge [sflag:s23], $0x1  }
0xa3: {  	[sflag:s23] =	ssyncset.done $0x0  }
0xa4: {  	s25 =	simm.s32 $0x1B8E;
	s24 =	sld [smem:$0x3FFE];
	[sflag:s23] =	ssyncadd.s32 $0xFFFFFFFF  }
0xa5: {  	s26 =	simm.s32 $execute0_lowered;
	[smem:$0x3FD2] =	sst s25  }
0xa6: {  	s4 =	sshll.u32 s26, $0x1;
	_ =	strace $0x80000046;
	[dreg:$0x1] =	wrdreg $0xFFFFFFFF  }
0xa7: {  	s28 =	simm.s32 $_size_execute0_lowered;
	s2 =	sadd.s32 s2, s4;
	[dreg:$0x0] =	wrdreg $0x0  }
0xa8: {  	s4 =	sshll.u32 s28, $0x1;
	[dreg:$0x2] =	wrdreg s2  }
0xa9: {  	[dreg:$0x3] =	wrdreg s4  }
0xaa: {  	[dreg:$0x4] =	wrdreg $0xC0  }
0xab: {  	_ =	task [dreg:s6], $0x5FFFF  }
0xac: {  	[dreg:$0x1] =	wrdreg $0xFFFFFFFF  }
0xad: {  	[dreg:$0x0] =	wrdreg $0x60  }
0xae: {  	[dreg:$0x2] =	wrdreg s24  }
0xaf: {  	[dreg:$0x3] =	wrdreg $0x9  }
0xb0: {  	_ =	task.clear_ibuf [dreg:s6], $0x4FFFF;
	_ =	strace $0x90000046  }
0xb1: {  	s29 =	simm.s32 $0x9;
	_ =	strace $0x80000048  }
0xb2: {  	_ =	swait.ge [sflag:s29], $0x1  }
0xb3: {  	[sflag:s29] =	ssyncadd.s32 $0xFFFFFFFF  }
0xb4: {  	_ =	strace $0x90000048  }
0xb5: {  	_ =	sfence  }
0xb6: {  	s30 =	sld [smem:$0x0];
	_ =	sdelay $0x2  }
0xb7: {  	s31 =	sshll.u32 s1, $0xD;
	s1 =	sshrl.u32 s1, $0x2  }
0xb8: {  	s3 =	sand.u32 $0x4000, s31;
	s1 =	sadd.s32 s1, s30  }
0xb9: {  	s0 =	sor.u32 s3, s0;
	s1 =	sshll.u32 s1, $0x11  }
0xba: {  	s0 =	sor.u32 s1, s0  }
0xbb: {  	s0 =	sadd.s32 $0x8F2B, s0  }
0xbc: {  	[sflag:s0] =	ssyncadd.remote.s32 $0x1  }
0xbd: {  	_ =	sfence.sel $0xFFFF  }
0xbe: {  	[dreg:$0x0] =	wrdreg $0xFFFFFFFF;
	(pc) =	sbr.abs _section_cstart, $3  }
0xbf: {  	[dreg:$0x1] =	wrdreg $0xFFFFFFFF  }
0xc0: {  	_ =	task.clear_ibuf [dreg:s6], $0x2FFFF;
	_ =	strace $0x9FFFFFFF  }
0xc1: {  	(tm) =	ssettm $0x7FFFFFFF  }
tec
execute0_lowered:
.L_overlay_start_1:
0x0: {  	(tag) =	ssettag $0x1  }
0x1: {  	s3 =	rddreg [dreg:$0x0]  }
0x2: {  	s0 =	rddreg [dreg:$0x1]  }
0x3: {  	s2 =	simm.s32 $0x0;
	s4 =	srdreg.scid;
	s1 =	stileid.u32  }
0x4: {  	[smem:$0x7FF] =	sst s2;
	s4 =	sand.u32 $0x1, s4;
	s5 =	sshll.u32 s1, $0x1  }
0x5: {  	s8 =	simm.s32 $0x0;
	_ =	strace $0x80000047;
	s5 =	sor.u32 s4, s5  }
0x6: {  	s4 =	ssub.s32 $0x2, s4;
	s6 =	sshll.u32 s5, $0x9;
	s5 =	sshll.u32 s5, $0x4  }
0x7: {  	s7 =	sshrl.u32 s4, $0x1;
	s6 =	sadd.s32 s6, s3;
	s5 =	sadd.s32 s5, s3  }
0x8: {  	s7 =	ssub.s32 s4, s7;
	s3 =	sadd.s32 $0x400, s6;
	s4 =	sadd.s32 $0x4400, s5  }
0x9: {  	v0 =	vimm.f32 $0.0e+00;
	v1 =	vimm.f32 $1.000000000e+00;
	s5 =	smax.u32 s7, $0x1;
	s6 =	simm.s32 $0x1;
	s7 =	simm.s32 $0x1000  }
.LBB2_1:
0xa: {  	[tilespmem:s2], [sflag:$0x1] =	stream.linear.gather [hbm4b:s3+s2], $0x1000, $0x38;
	[tilespmem:$0x1080] =	vst v63  }
0xb: {  	_ =	swait.ge [sflag:s6], $0x1000  }
0xc: {  	[sflag:s6] =	ssyncset.done $0x0  }
0xd: {  	[sflag:s6] =	ssyncadd.s32 $0xFFFFF000  }
0xe: {  	s9 =	simm.s32 $0x0;
	s10 =	simm.s32 $0x0;
	[tilespmem:$0x1000] =	vst v0  }
.LBB2_2:
0xf: {  	s11 =	sand.u32 $0x800, s10;
	s12 =	sand.u32 $0x380, s9  }
0x10: {  	s11 =	sor.u32 s12, s11  }
0x11: {  	v2 =	vld [tilespmem:s11+$0x0];
	_ =	sdelay $0x7  }
0x12: {  	[tilespmem:v2+s7+$0x0] =	vst.idx.add.f32.msk $0xffff, v1  }
0x13: {  	v2 =	vld [tilespmem:s11+$0x10];
	_ =	sdelay $0x7  }
0x14: {  	[tilespmem:v2+s7+$0x0] =	vst.idx.add.f32.msk $0xffff, v1  }
0x15: {  	v2 =	vld [tilespmem:s11+$0x20];
	_ =	sdelay $0x7  }
0x16: {  	[tilespmem:v2+s7+$0x0] =	vst.idx.add.f32.msk $0xffff, v1  }
0x17: {  	v2 =	vld [tilespmem:s11+$0x30];
	_ =	sdelay $0x7  }
0x18: {  	[tilespmem:v2+s7+$0x0] =	vst.idx.add.f32.msk $0xffff, v1  }
0x19: {  	v2 =	vld [tilespmem:s11+$0x40];
	_ =	sdelay $0x7  }
0x1a: {  	[tilespmem:v2+s7+$0x0] =	vst.idx.add.f32.msk $0xffff, v1  }
0x1b: {  	v2 =	vld [tilespmem:s11+$0x50];
	_ =	sdelay $0x7  }
0x1c: {  	[tilespmem:v2+s7+$0x0] =	vst.idx.add.f32.msk $0xffff, v1  }
0x1d: {  	v2 =	vld [tilespmem:s11+$0x60];
	_ =	sdelay $0x7  }
0x1e: {  	[tilespmem:v2+s7+$0x0] =	vst.idx.add.f32.msk $0xffff, v1  }
0x1f: {  	v2 =	vld [tilespmem:s11+$0x70];
	_ =	sdelay $0x7  }
0x20: {  	[tilespmem:v2+s7+$0x0] =	vst.idx.add.f32.msk $0xffff, v1  }
0x21: {  	v2 =	vld [tilespmem:s11+$0x400];
	_ =	sdelay $0x7  }
0x22: {  	[tilespmem:v2+s7+$0x0] =	vst.idx.add.f32.msk $0xffff, v1  }
0x23: {  	v2 =	vld [tilespmem:s11+$0x410];
	_ =	sdelay $0x7  }
0x24: {  	[tilespmem:v2+s7+$0x0] =	vst.idx.add.f32.msk $0xffff, v1  }
0x25: {  	v2 =	vld [tilespmem:s11+$0x420];
	_ =	sdelay $0x7  }
0x26: {  	[tilespmem:v2+s7+$0x0] =	vst.idx.add.f32.msk $0xffff, v1  }
0x27: {  	v2 =	vld [tilespmem:s11+$0x430];
	_ =	sdelay $0x7  }
0x28: {  	[tilespmem:v2+s7+$0x0] =	vst.idx.add.f32.msk $0xffff, v1  }
0x29: {  	v2 =	vld [tilespmem:s11+$0x440];
	_ =	sdelay $0x7  }
0x2a: {  	[tilespmem:v2+s7+$0x0] =	vst.idx.add.f32.msk $0xffff, v1  }
0x2b: {  	v2 =	vld [tilespmem:s11+$0x450];
	_ =	sdelay $0x7  }
0x2c: {  	[tilespmem:v2+s7+$0x0] =	vst.idx.add.f32.msk $0xffff, v1  }
0x2d: {  	v2 =	vld [tilespmem:s11+$0x460];
	_ =	sdelay $0x7  }
0x2e: {  	[tilespmem:v2+s7+$0x0] =	vst.idx.add.f32.msk $0xffff, v1  }
0x2f: {  	v2 =	vld [tilespmem:s11+$0x470];
	_ =	sdelay $0x2  }
0x30: {  	p0 =	sne.s32 s10, $0xF00  }
.Ltmp0:
0x31: {  	_ = 	snop;
	(pc) =	sbr.rel @p0 .LBB2_2-.Ltmp0, $2  }
0x32: {  	_ =	sdelay $0x2  }
0x33: {  	s9 =	sadd.s32 $0x80, s9;
	s10 =	sadd.s32 $0x100, s10;
	[tilespmem:v2+s7+$0x0] =	vst.idx.add.f32.msk $0xffff, v1  }
0x34: {  	s8 =	sadd.s32 $0x1, s8  }
0x35: {  	p0 =	sne.s32 s8, s5  }
.Ltmp1:
0x36: {  	_ = 	snop;
	(pc) =	sbr.rel @p0 .LBB2_1-.Ltmp1, $4  }
0x37: {  	[hbm4b:s4+s2] =	stream.linear.scatter [tilespmem:s7], [sflag:$0x1], $0x80, $0x38;
	[tilespmem:$0x1080] =	vst v63  }
0x38: {  	_ =	swait.ge [sflag:s6], $0x80  }
0x39: {  	[sflag:s6] =	ssyncset.done $0x0  }
0x3a: {  	[sflag:s6] =	ssyncadd.s32 $0xFFFFFF80  }
0x3b: {  	_ =	sfence.sel $0x180000  }
0x3c: {  	[bflag:$0x0] =	sbarrier.arrive $0xFFFF  }
0x3d: {  	p0 =	sne.s32 s1, $0x0;
	_ =	strace $0x90000047  }
0x3e: {  	s0 =	sadd.s32 @!p0 $0x100000, s0;
	[bflag:$0x2] =	sbarrier.arrive $0xFFFF  }
0x3f: {  	[sflag:s0] =	ssyncadd.tile.s32 @!p0 $0x1;
	_ =	shalt  }
.Lfunc_end2:
_tile_overlayer_lowered:
.L_overlay_start_2:
0x40: {  	(tag) =	ssettag $0x2  }
0x41: {  	s0 =	rddreg [dreg:$0x0];
	s2 =	stileid.u32  }
0x42: {  	s1 =	rddreg [dreg:$0x1];
	p0 =	sne.s32 s2, $0x0  }
0x43: {  	s3 =	rddreg [dreg:$0x2];
	[bflag:$0x3] =	sbarrier.arrive $0xFFFF;
	s2 =	simm.s32 @!p0 $0x1C01  }
0x44: {  	[timem:s3], [sflag:s2] =	dma.local @!p0 [hbm:s0], s1  }
0x45: {  	s0 =	simm.s32 @!p0 $0x1  }
0x46: {  	_ =	swait.ge @!p0 [sflag:s0], s1  }
0x47: {  	s1 =	ssub.s32 @!p0 $0x0, s1;
	[sflag:s0] =	ssyncset.done @!p0 $0x0  }
0x48: {  	[sflag:s0] =	ssyncadd.s32 @!p0 s1  }
0x49: {  	[bflag:$0x3] =	sbarrier.arrive $0xFFFF  }
0x4a: {  	_ =	shalt  }

</sc_bundles>
